<compile_context>
chip_gen: v7x
topology: tpu7x:2x2x1
jax: 0.10.2.dev20260603
libtpu: 0.0.44.dev20260713+nightly
codegen_flags: <defaults>
</compile_context>

<pallas_src>
import numpy as np

import jax
import jax.numpy as jnp
from jax import lax
from jax.experimental import pallas as pl
from jax.experimental.pallas import tpu as pltpu
from jax.experimental.pallas import tpu_sc as plsc

B = 4096
F = 26
L = 50
VOCAB = 100000
D = 32

NC = 2
NS = 16
NW = NC * NS
BPW = B // NW
P = F * L
LANES = 16
PPAD = ((P + LANES - 1) // LANES) * LANES
PROW = P + 4


def _body(labels_hbm, tables_hbm, off_hbm, out_hbm,
          lab_v, rows_v, trans_v, off_v, sem):
    wid = lax.axis_index("s") * NC + lax.axis_index("c")

    pltpu.sync_copy(off_hbm, off_v)
    lab_v[pl.ds(PPAD - LANES, LANES)] = jnp.zeros((LANES,), jnp.int32)

    def per_b(i, c):
        b = wid * BPW + i
        pltpu.sync_copy(labels_hbm.at[pl.ds(b * PROW, PROW)],
                        lab_v.at[pl.ds(0, PROW)])

        def add_off(j, cc):
            sl = pl.ds(j * LANES, LANES)
            lab_v[sl] = lab_v[sl] + off_v[sl]
            return cc
        lax.fori_loop(0, PPAD // LANES, add_off, 0)

        pltpu.async_copy(tables_hbm.at[lab_v], rows_v, sem).wait()

        def per_l(l, cc):
            lane = lax.iota(jnp.int32, LANES) * L
            for h in range(D // LANES):
                a0 = rows_v[l, pl.ds(h * LANES, LANES)]
                a1 = rows_v[L + l, pl.ds(h * LANES, LANES)]
                for f in range(2, F, 2):
                    a0 = a0 + rows_v[f * L + l, pl.ds(h * LANES, LANES)]
                    a1 = a1 + rows_v[(f + 1) * L + l, pl.ds(h * LANES, LANES)]
                acc = (a0 + a1) * (1.0 / F)
                plsc.store_scatter(trans_v, [lane + (h * LANES * L + l)], acc)
            return cc
        lax.fori_loop(0, L, per_l, 0)

        pltpu.sync_copy(trans_v, out_hbm.at[pl.ds(b * (D * L), D * L)])
        return c
    lax.fori_loop(0, BPW, per_b, 0)


_OFF_NP = np.zeros((PPAD,), np.int32)
_OFF_NP[:P] = np.repeat(np.arange(F, dtype=np.int32) * VOCAB, L)


@jax.jit
def kernel(labels, tables):
    labels32 = jnp.pad(labels.astype(jnp.int32).reshape(B, P),
                       ((0, 0), (0, PROW - P))).reshape(B * PROW)
    tables_flat = tables.reshape(F * VOCAB, D)
    off = jnp.asarray(_OFF_NP)
    k = pl.kernel(
        _body,
        out_type=jax.ShapeDtypeStruct((B * D * L,), jnp.float32),
        mesh=plsc.VectorSubcoreMesh(core_axis_name="c", subcore_axis_name="s"),
        compiler_params=pltpu.CompilerParams(use_tc_tiling_on_sc=False, needs_layout_passes=False),
        scratch_types=[
            pltpu.VMEM((PPAD,), jnp.int32),
            pltpu.VMEM((PPAD, D), jnp.float32),
            pltpu.VMEM((D * L,), jnp.float32),
            pltpu.VMEM((PPAD,), jnp.int32),
            pltpu.SemaphoreType.DMA,
        ],
    )
    out = k(labels32, tables_flat, off)
    return out.reshape(B, D, L)

# --- scband reference (transcript-rebuilt; emitter-appended) ---
"""Pipeline reference for scband-cate-encoder-7911329759562 (READ-ONLY COPY).

The authoritative reference and input builder live on the scoring server;
editing this copy changes nothing except your own understanding.
"""

import jax, jax.numpy as jnp
import numpy as np

B = 4096
F = 26
L = 50
VOCAB = 100000
D = 32

def setup_inputs(seed: int = 0) -> dict:
    key = jax.random.key(seed)
    k1, k2 = jax.random.split(key)
    labels = jax.random.randint(k1, (B, F, L), 0, VOCAB, dtype=jnp.int64)
    tables = jax.random.normal(k2, (F, VOCAB, D), dtype=jnp.float32)
    return {"labels": labels, "tables": tables}

def reference(labels, tables):
    # CateEncoder.forward: per-field embedding lookup, stack, mean over fields, permute
    embed_list = []
    for idx in range(F):
        # nn.Embedding lookup for field idx: tables[idx] is [VOCAB, D], labels[:, idx, :] is [B, L]
        embed_list.append(jnp.take(tables[idx], labels[:, idx, :], axis=0))  # [B, L, D]
    embed_stack = jnp.stack(embed_list, 1)  # [B, F, L, D]
    embed = embed_stack.mean(1)  # [B, L, D]
    embed = jnp.transpose(embed, (0, 2, 1))  # [B, D, L]
    return embed

if __name__ == "__main__":
    import jax
    _d = setup_inputs()
    print(jax.jit(kernel)(*tuple(_d.values())))

</pallas_src>

<mosaic_0001>
#map = affine_map<(d0, d1) -> (0)>
#map1 = affine_map<(d0, d1) -> (0, 0)>
module attributes {stable_mosaic.version = 14 : i64} {
  func.func @_body(%arg0: i32, %arg1: i32, %arg2: memref<5341184xi32, #tpu.memory_space<hbm>>, %arg3: memref<2600000x32xf32, #tpu.memory_space<hbm>>, %arg4: memref<1312xi32, #tpu.memory_space<hbm>>, %arg5: memref<6553600xf32, #tpu.memory_space<hbm>>, %arg6: memref<1312xi32, #tpu.memory_space<vmem>>, %arg7: memref<1312x32xf32, #tpu.memory_space<vmem>>, %arg8: memref<1600xf32, #tpu.memory_space<vmem>>, %arg9: memref<1312xi32, #tpu.memory_space<vmem>>, %arg10: memref<!tpu.dma_semaphore, #tpu.memory_space<semaphore_mem>>) attributes {dimension_semantics = [#tpu.dimension_semantics<core_parallel>, #tpu.dimension_semantics<subcore_parallel>], iteration_bounds = array<i64: 2, 16>, scalar_prefetch = 0 : i64, scratch_operands = 5 : i64, tpu.core_type = #tpu.core_type<sc_vector_subcore>, window_params = [{transform_indices = #map}, {transform_indices = #map1}, {transform_indices = #map}, {transform_indices = #map}]} {
    %mul3A = arith.constant 2 : i32
    %mul3A_0 = arith.muli %arg1, %mul3A : i32
    %add3A = arith.addi %mul3A_0, %arg0 : i32
    "tpu.region"() ({
      %run_scoped3A = tpu.sem_alloc : memref<!tpu.dma_semaphore, #tpu.memory_space<semaphore_mem>>
      tpu.enqueue_dma source(%arg4 : memref<1312xi32, #tpu.memory_space<hbm>>) target(%arg9 : memref<1312xi32, #tpu.memory_space<vmem>>) target_semaphore(%run_scoped3A : memref<!tpu.dma_semaphore, #tpu.memory_space<semaphore_mem>>)
      tpu.wait_dma2 semaphore(%run_scoped3A : memref<!tpu.dma_semaphore, #tpu.memory_space<semaphore_mem>>) src(%arg4 : memref<1312xi32, #tpu.memory_space<hbm>>) dst(%arg9 : memref<1312xi32, #tpu.memory_space<vmem>>)
      tpu.yield
    }) : () -> ()
    %broadcast_in_dim3A = arith.constant 0 : i32
    %broadcast_in_dim3A_1 = vector.broadcast %broadcast_in_dim3A : i32 to vector<16xi32>
    %swap3A = arith.constant 1296 : index
    %swap3A_2 = tpu.vector_load %arg6[%swap3A] {strides = array<i32>} : memref<1312xi32, #tpu.memory_space<vmem>>, vector<16xi32>,
    tpu.vector_store %arg6[%swap3A], %broadcast_in_dim3A_1 {strides = array<i32>} : memref<1312xi32, #tpu.memory_space<vmem>>, vector<16xi32>,
    %scan3A = arith.constant 0 : i32
    %scan3A_3 = arith.constant 0 : i32
    %scan3A_4 = arith.constant 128 : i32
    %scan3A_5 = arith.addi %scan3A_3, %scan3A_4 : i32
    %scan3A_6 = arith.constant 1 : i32
    scf.for %scan3A_8 = %scan3A_3 to %scan3A_5 step %scan3A_6  : i32 {
      %mul3A_9 = arith.constant 128 : i32
      %mul3A_10 = arith.muli %add3A, %mul3A_9 : i32
      %add3A_11 = arith.addi %mul3A_10, %scan3A_8 : i32
      %mul3A_12 = arith.constant 1304 : i32
      %mul3A_13 = arith.muli %add3A_11, %mul3A_12 : i32
      "tpu.region"() ({
        %run_scoped3A = tpu.sem_alloc : memref<!tpu.dma_semaphore, #tpu.memory_space<semaphore_mem>>
        %dma_start3A_32 = arith.constant 0 : i32
        %dma_start3A_33 = tpu.memref_slice %arg6[%dma_start3A_32] : memref<1312xi32, #tpu.memory_space<vmem>> -> memref<1304xi32, #tpu.memory_space<vmem>>
        %dma_start3A_34 = tpu.memref_slice %arg2[%mul3A_13] : memref<5341184xi32, #tpu.memory_space<hbm>> -> memref<1304xi32, #tpu.memory_space<hbm>>
        %dma_start3A_35 = arith.constant 0 : i32
        %dma_start3A_36 = tpu.memref_slice %arg6[%dma_start3A_35] : memref<1312xi32, #tpu.memory_space<vmem>> -> memref<1304xi32, #tpu.memory_space<vmem>>
        %dma_start3A_37 = tpu.memref_slice %arg2[%mul3A_13] : memref<5341184xi32, #tpu.memory_space<hbm>> -> memref<1304xi32, #tpu.memory_space<hbm>>
        tpu.enqueue_dma source(%dma_start3A_37 : memref<1304xi32, #tpu.memory_space<hbm>>) target(%dma_start3A_36 : memref<1304xi32, #tpu.memory_space<vmem>>) target_semaphore(%run_scoped3A : memref<!tpu.dma_semaphore, #tpu.memory_space<semaphore_mem>>)
        %dma_wait3A_38 = arith.constant 0 : i32
        %dma_wait3A_39 = tpu.memref_slice %arg6[%dma_wait3A_38] : memref<1312xi32, #tpu.memory_space<vmem>> -> memref<1304xi32, #tpu.memory_space<vmem>>
        %dma_wait3A_40 = tpu.memref_slice %arg2[%mul3A_13] : memref<5341184xi32, #tpu.memory_space<hbm>> -> memref<1304xi32, #tpu.memory_space<hbm>>
        %dma_wait3A_41 = arith.constant 0 : i32
        %dma_wait3A_42 = tpu.memref_slice %arg6[%dma_wait3A_41] : memref<1312xi32, #tpu.memory_space<vmem>> -> memref<1304xi32, #tpu.memory_space<vmem>>
        %dma_wait3A_43 = tpu.memref_slice %arg2[%mul3A_13] : memref<5341184xi32, #tpu.memory_space<hbm>> -> memref<1304xi32, #tpu.memory_space<hbm>>
        tpu.wait_dma2 semaphore(%run_scoped3A : memref<!tpu.dma_semaphore, #tpu.memory_space<semaphore_mem>>) src(%dma_wait3A_43 : memref<1304xi32, #tpu.memory_space<hbm>>) dst(%dma_wait3A_42 : memref<1304xi32, #tpu.memory_space<vmem>>)
        tpu.yield
      }) : () -> ()
      %scan3A_14 = arith.constant 0 : i32
      %scan3A_15 = arith.constant 0 : i32
      %scan3A_16 = arith.constant 82 : i32
      %scan3A_17 = arith.addi %scan3A_15, %scan3A_16 : i32
      %scan3A_18 = arith.constant 1 : i32
      scf.for %scan3A_32 = %scan3A_15 to %scan3A_17 step %scan3A_18  : i32 {
        %mul3A_33 = arith.constant 16 : i32
        %mul3A_34 = arith.muli %scan3A_32, %mul3A_33 : i32
        %get3A = arith.index_cast %mul3A_34 : i32 to index
        %get3A_35 = tpu.vector_load %arg6[%get3A] {strides = array<i32>} : memref<1312xi32, #tpu.memory_space<vmem>>, vector<16xi32>,
        %get3A_36 = arith.index_cast %mul3A_34 : i32 to index
        %get3A_37 = tpu.vector_load %arg9[%get3A_36] {strides = array<i32>} : memref<1312xi32, #tpu.memory_space<vmem>>, vector<16xi32>,
        %add3A_38 = arith.addi %get3A_35, %get3A_37 : vector<16xi32>
        %swap3A_39 = arith.index_cast %mul3A_34 : i32 to index
        %swap3A_40 = tpu.vector_load %arg6[%swap3A_39] {strides = array<i32>} : memref<1312xi32, #tpu.memory_space<vmem>>, vector<16xi32>,
        tpu.vector_store %arg6[%swap3A_39], %add3A_38 {strides = array<i32>} : memref<1312xi32, #tpu.memory_space<vmem>>, vector<16xi32>,
      }
      %scan3A_19 = arith.constant 82 : i32
      %dma_start3A = arith.constant 0 : i32
      %dma_start3A_20 = arith.constant 0 : i32
      %dma_start3A_21 = tpu.memref_slice %arg3[%dma_start3A, %dma_start3A_20] : memref<2600000x32xf32, #tpu.memory_space<hbm>> -> memref<2600000x32xf32, #tpu.memory_space<hbm>>
      tpu.enqueue_indirect_dma source(%dma_start3A_21 : memref<2600000x32xf32, #tpu.memory_space<hbm>>) target(%arg7 : memref<1312x32xf32, #tpu.memory_space<vmem>>) offsets(%arg6 : memref<1312xi32, #tpu.memory_space<vmem>>) semaphore(%arg10 : memref<!tpu.dma_semaphore, #tpu.memory_space<semaphore_mem>>)
      %dma_wait3A = arith.constant 0 : i32
      %dma_wait3A_22 = arith.constant 0 : i32
      %dma_wait3A_23 = tpu.memref_slice %arg3[%dma_wait3A, %dma_wait3A_22] : memref<2600000x32xf32, #tpu.memory_space<hbm>> -> memref<2600000x32xf32, #tpu.memory_space<hbm>>
      tpu.wait_indirect_dma semaphore(%arg10 : memref<!tpu.dma_semaphore, #tpu.memory_space<semaphore_mem>>) src(%dma_wait3A_23 : memref<2600000x32xf32, #tpu.memory_space<hbm>>) dst(%arg7 : memref<1312x32xf32, #tpu.memory_space<vmem>>)
      %scan3A_24 = arith.constant 0 : i32
      %scan3A_25 = arith.constant 0 : i32
      %scan3A_26 = arith.constant 50 : i32
      %scan3A_27 = arith.addi %scan3A_25, %scan3A_26 : i32
      %scan3A_28 = arith.constant 1 : i32
      scf.for %scan3A_32 = %scan3A_25 to %scan3A_27 step %scan3A_28  : i32 {
        %iota3A = tpu.iota {dimensions = array<i32: 0>} : vector<16xi32>
        %mul3A_33 = arith.constant 50 : i32
        %mul3A_34 = vector.broadcast %mul3A_33 : i32 to vector<16xi32>
        %mul3A_35 = arith.muli %iota3A, %mul3A_34 : vector<16xi32>
        %get3A = arith.index_cast %scan3A_32 : i32 to index
        %get3A_36 = arith.constant 0 : index
        %get3A_37 = tpu.vector_load %arg7[%get3A, %get3A_36] {strides = array<i32>} : memref<1312x32xf32, #tpu.memory_space<vmem>>, vector<16xf32>,
        %add3A_38 = arith.constant 50 : i32
        %add3A_39 = arith.addi %add3A_38, %scan3A_32 : i32
        %get3A_40 = arith.index_cast %add3A_39 : i32 to index
        %get3A_41 = arith.constant 0 : index
        %get3A_42 = tpu.vector_load %arg7[%get3A_40, %get3A_41] {strides = array<i32>} : memref<1312x32xf32, #tpu.memory_space<vmem>>, vector<16xf32>,
        %add3A_43 = arith.constant 100 : i32
        %add3A_44 = arith.addi %add3A_43, %scan3A_32 : i32
        %get3A_45 = arith.index_cast %add3A_44 : i32 to index
        %get3A_46 = arith.constant 0 : index
        %get3A_47 = tpu.vector_load %arg7[%get3A_45, %get3A_46] {strides = array<i32>} : memref<1312x32xf32, #tpu.memory_space<vmem>>, vector<16xf32>,
        %add3A_48 = arith.addf %get3A_37, %get3A_47 : vector<16xf32>
        %add3A_49 = arith.constant 150 : i32
        %add3A_50 = arith.addi %add3A_49, %scan3A_32 : i32
        %get3A_51 = arith.index_cast %add3A_50 : i32 to index
        %get3A_52 = arith.constant 0 : index
        %get3A_53 = tpu.vector_load %arg7[%get3A_51, %get3A_52] {strides = array<i32>} : memref<1312x32xf32, #tpu.memory_space<vmem>>, vector<16xf32>,
        %add3A_54 = arith.addf %get3A_42, %get3A_53 : vector<16xf32>
        %add3A_55 = arith.constant 200 : i32
        %add3A_56 = arith.addi %add3A_55, %scan3A_32 : i32
        %get3A_57 = arith.index_cast %add3A_56 : i32 to index
        %get3A_58 = arith.constant 0 : index
        %get3A_59 = tpu.vector_load %arg7[%get3A_57, %get3A_58] {strides = array<i32>} : memref<1312x32xf32, #tpu.memory_space<vmem>>, vector<16xf32>,
        %add3A_60 = arith.addf %add3A_48, %get3A_59 : vector<16xf32>
        %add3A_61 = arith.constant 250 : i32
        %add3A_62 = arith.addi %add3A_61, %scan3A_32 : i32
        %get3A_63 = arith.index_cast %add3A_62 : i32 to index
        %get3A_64 = arith.constant 0 : index
        %get3A_65 = tpu.vector_load %arg7[%get3A_63, %get3A_64] {strides = array<i32>} : memref<1312x32xf32, #tpu.memory_space<vmem>>, vector<16xf32>,
        %add3A_66 = arith.addf %add3A_54, %get3A_65 : vector<16xf32>
        %add3A_67 = arith.constant 300 : i32
        %add3A_68 = arith.addi %add3A_67, %scan3A_32 : i32
        %get3A_69 = arith.index_cast %add3A_68 : i32 to index
        %get3A_70 = arith.constant 0 : index
        %get3A_71 = tpu.vector_load %arg7[%get3A_69, %get3A_70] {strides = array<i32>} : memref<1312x32xf32, #tpu.memory_space<vmem>>, vector<16xf32>,
        %add3A_72 = arith.addf %add3A_60, %get3A_71 : vector<16xf32>
        %add3A_73 = arith.constant 350 : i32
        %add3A_74 = arith.addi %add3A_73, %scan3A_32 : i32
        %get3A_75 = arith.index_cast %add3A_74 : i32 to index
        %get3A_76 = arith.constant 0 : index
        %get3A_77 = tpu.vector_load %arg7[%get3A_75, %get3A_76] {strides = array<i32>} : memref<1312x32xf32, #tpu.memory_space<vmem>>, vector<16xf32>,
        %add3A_78 = arith.addf %add3A_66, %get3A_77 : vector<16xf32>
        %add3A_79 = arith.constant 400 : i32
        %add3A_80 = arith.addi %add3A_79, %scan3A_32 : i32
        %get3A_81 = arith.index_cast %add3A_80 : i32 to index
        %get3A_82 = arith.constant 0 : index
        %get3A_83 = tpu.vector_load %arg7[%get3A_81, %get3A_82] {strides = array<i32>} : memref<1312x32xf32, #tpu.memory_space<vmem>>, vector<16xf32>,
        %add3A_84 = arith.addf %add3A_72, %get3A_83 : vector<16xf32>
        %add3A_85 = arith.constant 450 : i32
        %add3A_86 = arith.addi %add3A_85, %scan3A_32 : i32
        %get3A_87 = arith.index_cast %add3A_86 : i32 to index
        %get3A_88 = arith.constant 0 : index
        %get3A_89 = tpu.vector_load %arg7[%get3A_87, %get3A_88] {strides = array<i32>} : memref<1312x32xf32, #tpu.memory_space<vmem>>, vector<16xf32>,
        %add3A_90 = arith.addf %add3A_78, %get3A_89 : vector<16xf32>
        %add3A_91 = arith.constant 500 : i32
        %add3A_92 = arith.addi %add3A_91, %scan3A_32 : i32
        %get3A_93 = arith.index_cast %add3A_92 : i32 to index
        %get3A_94 = arith.constant 0 : index
        %get3A_95 = tpu.vector_load %arg7[%get3A_93, %get3A_94] {strides = array<i32>} : memref<1312x32xf32, #tpu.memory_space<vmem>>, vector<16xf32>,
        %add3A_96 = arith.addf %add3A_84, %get3A_95 : vector<16xf32>
        %add3A_97 = arith.constant 550 : i32
        %add3A_98 = arith.addi %add3A_97, %scan3A_32 : i32
        %get3A_99 = arith.index_cast %add3A_98 : i32 to index
        %get3A_100 = arith.constant 0 : index
        %get3A_101 = tpu.vector_load %arg7[%get3A_99, %get3A_100] {strides = array<i32>} : memref<1312x32xf32, #tpu.memory_space<vmem>>, vector<16xf32>,
        %add3A_102 = arith.addf %add3A_90, %get3A_101 : vector<16xf32>
        %add3A_103 = arith.constant 600 : i32
        %add3A_104 = arith.addi %add3A_103, %scan3A_32 : i32
        %get3A_105 = arith.index_cast %add3A_104 : i32 to index
        %get3A_106 = arith.constant 0 : index
        %get3A_107 = tpu.vector_load %arg7[%get3A_105, %get3A_106] {strides = array<i32>} : memref<1312x32xf32, #tpu.memory_space<vmem>>, vector<16xf32>,
        %add3A_108 = arith.addf %add3A_96, %get3A_107 : vector<16xf32>
        %add3A_109 = arith.constant 650 : i32
        %add3A_110 = arith.addi %add3A_109, %scan3A_32 : i32
        %get3A_111 = arith.index_cast %add3A_110 : i32 to index
        %get3A_112 = arith.constant 0 : index
        %get3A_113 = tpu.vector_load %arg7[%get3A_111, %get3A_112] {strides = array<i32>} : memref<1312x32xf32, #tpu.memory_space<vmem>>, vector<16xf32>,
        %add3A_114 = arith.addf %add3A_102, %get3A_113 : vector<16xf32>
        %add3A_115 = arith.constant 700 : i32
        %add3A_116 = arith.addi %add3A_115, %scan3A_32 : i32
        %get3A_117 = arith.index_cast %add3A_116 : i32 to index
        %get3A_118 = arith.constant 0 : index
        %get3A_119 = tpu.vector_load %arg7[%get3A_117, %get3A_118] {strides = array<i32>} : memref<1312x32xf32, #tpu.memory_space<vmem>>, vector<16xf32>,
        %add3A_120 = arith.addf %add3A_108, %get3A_119 : vector<16xf32>
        %add3A_121 = arith.constant 750 : i32
        %add3A_122 = arith.addi %add3A_121, %scan3A_32 : i32
        %get3A_123 = arith.index_cast %add3A_122 : i32 to index
        %get3A_124 = arith.constant 0 : index
        %get3A_125 = tpu.vector_load %arg7[%get3A_123, %get3A_124] {strides = array<i32>} : memref<1312x32xf32, #tpu.memory_space<vmem>>, vector<16xf32>,
        %add3A_126 = arith.addf %add3A_114, %get3A_125 : vector<16xf32>
        %add3A_127 = arith.constant 800 : i32
        %add3A_128 = arith.addi %add3A_127, %scan3A_32 : i32
        %get3A_129 = arith.index_cast %add3A_128 : i32 to index
        %get3A_130 = arith.constant 0 : index
        %get3A_131 = tpu.vector_load %arg7[%get3A_129, %get3A_130] {strides = array<i32>} : memref<1312x32xf32, #tpu.memory_space<vmem>>, vector<16xf32>,
        %add3A_132 = arith.addf %add3A_120, %get3A_131 : vector<16xf32>
        %add3A_133 = arith.constant 850 : i32
        %add3A_134 = arith.addi %add3A_133, %scan3A_32 : i32
        %get3A_135 = arith.index_cast %add3A_134 : i32 to index
        %get3A_136 = arith.constant 0 : index
        %get3A_137 = tpu.vector_load %arg7[%get3A_135, %get3A_136] {strides = array<i32>} : memref<1312x32xf32, #tpu.memory_space<vmem>>, vector<16xf32>,
        %add3A_138 = arith.addf %add3A_126, %get3A_137 : vector<16xf32>
        %add3A_139 = arith.constant 900 : i32
        %add3A_140 = arith.addi %add3A_139, %scan3A_32 : i32
        %get3A_141 = arith.index_cast %add3A_140 : i32 to index
        %get3A_142 = arith.constant 0 : index
        %get3A_143 = tpu.vector_load %arg7[%get3A_141, %get3A_142] {strides = array<i32>} : memref<1312x32xf32, #tpu.memory_space<vmem>>, vector<16xf32>,
        %add3A_144 = arith.addf %add3A_132, %get3A_143 : vector<16xf32>
        %add3A_145 = arith.constant 950 : i32
        %add3A_146 = arith.addi %add3A_145, %scan3A_32 : i32
        %get3A_147 = arith.index_cast %add3A_146 : i32 to index
        %get3A_148 = arith.constant 0 : index
        %get3A_149 = tpu.vector_load %arg7[%get3A_147, %get3A_148] {strides = array<i32>} : memref<1312x32xf32, #tpu.memory_space<vmem>>, vector<16xf32>,
        %add3A_150 = arith.addf %add3A_138, %get3A_149 : vector<16xf32>
        %add3A_151 = arith.constant 1000 : i32
        %add3A_152 = arith.addi %add3A_151, %scan3A_32 : i32
        %get3A_153 = arith.index_cast %add3A_152 : i32 to index
        %get3A_154 = arith.constant 0 : index
        %get3A_155 = tpu.vector_load %arg7[%get3A_153, %get3A_154] {strides = array<i32>} : memref<1312x32xf32, #tpu.memory_space<vmem>>, vector<16xf32>,
        %add3A_156 = arith.addf %add3A_144, %get3A_155 : vector<16xf32>
        %add3A_157 = arith.constant 1050 : i32
        %add3A_158 = arith.addi %add3A_157, %scan3A_32 : i32
        %get3A_159 = arith.index_cast %add3A_158 : i32 to index
        %get3A_160 = arith.constant 0 : index
        %get3A_161 = tpu.vector_load %arg7[%get3A_159, %get3A_160] {strides = array<i32>} : memref<1312x32xf32, #tpu.memory_space<vmem>>, vector<16xf32>,
        %add3A_162 = arith.addf %add3A_150, %get3A_161 : vector<16xf32>
        %add3A_163 = arith.constant 1100 : i32
        %add3A_164 = arith.addi %add3A_163, %scan3A_32 : i32
        %get3A_165 = arith.index_cast %add3A_164 : i32 to index
        %get3A_166 = arith.constant 0 : index
        %get3A_167 = tpu.vector_load %arg7[%get3A_165, %get3A_166] {strides = array<i32>} : memref<1312x32xf32, #tpu.memory_space<vmem>>, vector<16xf32>,
        %add3A_168 = arith.addf %add3A_156, %get3A_167 : vector<16xf32>
        %add3A_169 = arith.constant 1150 : i32
        %add3A_170 = arith.addi %add3A_169, %scan3A_32 : i32
        %get3A_171 = arith.index_cast %add3A_170 : i32 to index
        %get3A_172 = arith.constant 0 : index
        %get3A_173 = tpu.vector_load %arg7[%get3A_171, %get3A_172] {strides = array<i32>} : memref<1312x32xf32, #tpu.memory_space<vmem>>, vector<16xf32>,
        %add3A_174 = arith.addf %add3A_162, %get3A_173 : vector<16xf32>
        %add3A_175 = arith.constant 1200 : i32
        %add3A_176 = arith.addi %add3A_175, %scan3A_32 : i32
        %get3A_177 = arith.index_cast %add3A_176 : i32 to index
        %get3A_178 = arith.constant 0 : index
        %get3A_179 = tpu.vector_load %arg7[%get3A_177, %get3A_178] {strides = array<i32>} : memref<1312x32xf32, #tpu.memory_space<vmem>>, vector<16xf32>,
        %add3A_180 = arith.addf %add3A_168, %get3A_179 : vector<16xf32>
        %add3A_181 = arith.constant 1250 : i32
        %add3A_182 = arith.addi %add3A_181, %scan3A_32 : i32
        %get3A_183 = arith.index_cast %add3A_182 : i32 to index
        %get3A_184 = arith.constant 0 : index
        %get3A_185 = tpu.vector_load %arg7[%get3A_183, %get3A_184] {strides = array<i32>} : memref<1312x32xf32, #tpu.memory_space<vmem>>, vector<16xf32>,
        %add3A_186 = arith.addf %add3A_174, %get3A_185 : vector<16xf32>
        %add3A_187 = arith.addf %add3A_180, %add3A_186 : vector<16xf32>
        %mul3A_188 = arith.constant 0.0384615399 : f32
        %mul3A_189 = vector.broadcast %mul3A_188 : f32 to vector<16xf32>
        %mul3A_190 = arith.mulf %add3A_187, %mul3A_189 : vector<16xf32>
        %add3A_191 = arith.constant 0 : i32
        %add3A_192 = arith.addi %add3A_191, %scan3A_32 : i32
        %add3A_193 = vector.broadcast %add3A_192 : i32 to vector<16xi32>
        %add3A_194 = arith.addi %mul3A_35, %add3A_193 : vector<16xi32>
        tpu.vector_store_idx %arg8[%add3A_194], %mul3A_190 : memref<1600xf32, #tpu.memory_space<vmem>>[vector<16xi32>], vector<16xf32>,
        %get3A_195 = arith.index_cast %scan3A_32 : i32 to index
        %get3A_196 = arith.constant 16 : index
        %get3A_197 = tpu.vector_load %arg7[%get3A_195, %get3A_196] {strides = array<i32>} : memref<1312x32xf32, #tpu.memory_space<vmem>>, vector<16xf32>,
        %add3A_198 = arith.constant 50 : i32
        %add3A_199 = arith.addi %add3A_198, %scan3A_32 : i32
        %get3A_200 = arith.index_cast %add3A_199 : i32 to index
        %get3A_201 = arith.constant 16 : index
        %get3A_202 = tpu.vector_load %arg7[%get3A_200, %get3A_201] {strides = array<i32>} : memref<1312x32xf32, #tpu.memory_space<vmem>>, vector<16xf32>,
        %add3A_203 = arith.constant 100 : i32
        %add3A_204 = arith.addi %add3A_203, %scan3A_32 : i32
        %get3A_205 = arith.index_cast %add3A_204 : i32 to index
        %get3A_206 = arith.constant 16 : index
        %get3A_207 = tpu.vector_load %arg7[%get3A_205, %get3A_206] {strides = array<i32>} : memref<1312x32xf32, #tpu.memory_space<vmem>>, vector<16xf32>,
        %add3A_208 = arith.addf %get3A_197, %get3A_207 : vector<16xf32>
        %add3A_209 = arith.constant 150 : i32
        %add3A_210 = arith.addi %add3A_209, %scan3A_32 : i32
        %get3A_211 = arith.index_cast %add3A_210 : i32 to index
        %get3A_212 = arith.constant 16 : index
        %get3A_213 = tpu.vector_load %arg7[%get3A_211, %get3A_212] {strides = array<i32>} : memref<1312x32xf32, #tpu.memory_space<vmem>>, vector<16xf32>,
        %add3A_214 = arith.addf %get3A_202, %get3A_213 : vector<16xf32>
        %add3A_215 = arith.constant 200 : i32
        %add3A_216 = arith.addi %add3A_215, %scan3A_32 : i32
        %get3A_217 = arith.index_cast %add3A_216 : i32 to index
        %get3A_218 = arith.constant 16 : index
        %get3A_219 = tpu.vector_load %arg7[%get3A_217, %get3A_218] {strides = array<i32>} : memref<1312x32xf32, #tpu.memory_space<vmem>>, vector<16xf32>,
        %add3A_220 = arith.addf %add3A_208, %get3A_219 : vector<16xf32>
        %add3A_221 = arith.constant 250 : i32
        %add3A_222 = arith.addi %add3A_221, %scan3A_32 : i32
        %get3A_223 = arith.index_cast %add3A_222 : i32 to index
        %get3A_224 = arith.constant 16 : index
        %get3A_225 = tpu.vector_load %arg7[%get3A_223, %get3A_224] {strides = array<i32>} : memref<1312x32xf32, #tpu.memory_space<vmem>>, vector<16xf32>,
        %add3A_226 = arith.addf %add3A_214, %get3A_225 : vector<16xf32>
        %add3A_227 = arith.constant 300 : i32
        %add3A_228 = arith.addi %add3A_227, %scan3A_32 : i32
        %get3A_229 = arith.index_cast %add3A_228 : i32 to index
        %get3A_230 = arith.constant 16 : index
        %get3A_231 = tpu.vector_load %arg7[%get3A_229, %get3A_230] {strides = array<i32>} : memref<1312x32xf32, #tpu.memory_space<vmem>>, vector<16xf32>,
        %add3A_232 = arith.addf %add3A_220, %get3A_231 : vector<16xf32>
        %add3A_233 = arith.constant 350 : i32
        %add3A_234 = arith.addi %add3A_233, %scan3A_32 : i32
        %get3A_235 = arith.index_cast %add3A_234 : i32 to index
        %get3A_236 = arith.constant 16 : index
        %get3A_237 = tpu.vector_load %arg7[%get3A_235, %get3A_236] {strides = array<i32>} : memref<1312x32xf32, #tpu.memory_space<vmem>>, vector<16xf32>,
        %add3A_238 = arith.addf %add3A_226, %get3A_237 : vector<16xf32>
        %add3A_239 = arith.constant 400 : i32
        %add3A_240 = arith.addi %add3A_239, %scan3A_32 : i32
        %get3A_241 = arith.index_cast %add3A_240 : i32 to index
        %get3A_242 = arith.constant 16 : index
        %get3A_243 = tpu.vector_load %arg7[%get3A_241, %get3A_242] {strides = array<i32>} : memref<1312x32xf32, #tpu.memory_space<vmem>>, vector<16xf32>,
        %add3A_244 = arith.addf %add3A_232, %get3A_243 : vector<16xf32>
        %add3A_245 = arith.constant 450 : i32
        %add3A_246 = arith.addi %add3A_245, %scan3A_32 : i32
        %get3A_247 = arith.index_cast %add3A_246 : i32 to index
        %get3A_248 = arith.constant 16 : index
        %get3A_249 = tpu.vector_load %arg7[%get3A_247, %get3A_248] {strides = array<i32>} : memref<1312x32xf32, #tpu.memory_space<vmem>>, vector<16xf32>,
        %add3A_250 = arith.addf %add3A_238, %get3A_249 : vector<16xf32>
        %add3A_251 = arith.constant 500 : i32
        %add3A_252 = arith.addi %add3A_251, %scan3A_32 : i32
        %get3A_253 = arith.index_cast %add3A_252 : i32 to index
        %get3A_254 = arith.constant 16 : index
        %get3A_255 = tpu.vector_load %arg7[%get3A_253, %get3A_254] {strides = array<i32>} : memref<1312x32xf32, #tpu.memory_space<vmem>>, vector<16xf32>,
        %add3A_256 = arith.addf %add3A_244, %get3A_255 : vector<16xf32>
        %add3A_257 = arith.constant 550 : i32
        %add3A_258 = arith.addi %add3A_257, %scan3A_32 : i32
        %get3A_259 = arith.index_cast %add3A_258 : i32 to index
        %get3A_260 = arith.constant 16 : index
        %get3A_261 = tpu.vector_load %arg7[%get3A_259, %get3A_260] {strides = array<i32>} : memref<1312x32xf32, #tpu.memory_space<vmem>>, vector<16xf32>,
        %add3A_262 = arith.addf %add3A_250, %get3A_261 : vector<16xf32>
        %add3A_263 = arith.constant 600 : i32
        %add3A_264 = arith.addi %add3A_263, %scan3A_32 : i32
        %get3A_265 = arith.index_cast %add3A_264 : i32 to index
        %get3A_266 = arith.constant 16 : index
        %get3A_267 = tpu.vector_load %arg7[%get3A_265, %get3A_266] {strides = array<i32>} : memref<1312x32xf32, #tpu.memory_space<vmem>>, vector<16xf32>,
        %add3A_268 = arith.addf %add3A_256, %get3A_267 : vector<16xf32>
        %add3A_269 = arith.constant 650 : i32
        %add3A_270 = arith.addi %add3A_269, %scan3A_32 : i32
        %get3A_271 = arith.index_cast %add3A_270 : i32 to index
        %get3A_272 = arith.constant 16 : index
        %get3A_273 = tpu.vector_load %arg7[%get3A_271, %get3A_272] {strides = array<i32>} : memref<1312x32xf32, #tpu.memory_space<vmem>>, vector<16xf32>,
        %add3A_274 = arith.addf %add3A_262, %get3A_273 : vector<16xf32>
        %add3A_275 = arith.constant 700 : i32
        %add3A_276 = arith.addi %add3A_275, %scan3A_32 : i32
        %get3A_277 = arith.index_cast %add3A_276 : i32 to index
        %get3A_278 = arith.constant 16 : index
        %get3A_279 = tpu.vector_load %arg7[%get3A_277, %get3A_278] {strides = array<i32>} : memref<1312x32xf32, #tpu.memory_space<vmem>>, vector<16xf32>,
        %add3A_280 = arith.addf %add3A_268, %get3A_279 : vector<16xf32>
        %add3A_281 = arith.constant 750 : i32
        %add3A_282 = arith.addi %add3A_281, %scan3A_32 : i32
        %get3A_283 = arith.index_cast %add3A_282 : i32 to index
        %get3A_284 = arith.constant 16 : index
        %get3A_285 = tpu.vector_load %arg7[%get3A_283, %get3A_284] {strides = array<i32>} : memref<1312x32xf32, #tpu.memory_space<vmem>>, vector<16xf32>,
        %add3A_286 = arith.addf %add3A_274, %get3A_285 : vector<16xf32>
        %add3A_287 = arith.constant 800 : i32
        %add3A_288 = arith.addi %add3A_287, %scan3A_32 : i32
        %get3A_289 = arith.index_cast %add3A_288 : i32 to index
        %get3A_290 = arith.constant 16 : index
        %get3A_291 = tpu.vector_load %arg7[%get3A_289, %get3A_290] {strides = array<i32>} : memref<1312x32xf32, #tpu.memory_space<vmem>>, vector<16xf32>,
        %add3A_292 = arith.addf %add3A_280, %get3A_291 : vector<16xf32>
        %add3A_293 = arith.constant 850 : i32
        %add3A_294 = arith.addi %add3A_293, %scan3A_32 : i32
        %get3A_295 = arith.index_cast %add3A_294 : i32 to index
        %get3A_296 = arith.constant 16 : index
        %get3A_297 = tpu.vector_load %arg7[%get3A_295, %get3A_296] {strides = array<i32>} : memref<1312x32xf32, #tpu.memory_space<vmem>>, vector<16xf32>,
        %add3A_298 = arith.addf %add3A_286, %get3A_297 : vector<16xf32>
        %add3A_299 = arith.constant 900 : i32
        %add3A_300 = arith.addi %add3A_299, %scan3A_32 : i32
        %get3A_301 = arith.index_cast %add3A_300 : i32 to index
        %get3A_302 = arith.constant 16 : index
        %get3A_303 = tpu.vector_load %arg7[%get3A_301, %get3A_302] {strides = array<i32>} : memref<1312x32xf32, #tpu.memory_space<vmem>>, vector<16xf32>,
        %add3A_304 = arith.addf %add3A_292, %get3A_303 : vector<16xf32>
        %add3A_305 = arith.constant 950 : i32
        %add3A_306 = arith.addi %add3A_305, %scan3A_32 : i32
        %get3A_307 = arith.index_cast %add3A_306 : i32 to index
        %get3A_308 = arith.constant 16 : index
        %get3A_309 = tpu.vector_load %arg7[%get3A_307, %get3A_308] {strides = array<i32>} : memref<1312x32xf32, #tpu.memory_space<vmem>>, vector<16xf32>,
        %add3A_310 = arith.addf %add3A_298, %get3A_309 : vector<16xf32>
        %add3A_311 = arith.constant 1000 : i32
        %add3A_312 = arith.addi %add3A_311, %scan3A_32 : i32
        %get3A_313 = arith.index_cast %add3A_312 : i32 to index
        %get3A_314 = arith.constant 16 : index
        %get3A_315 = tpu.vector_load %arg7[%get3A_313, %get3A_314] {strides = array<i32>} : memref<1312x32xf32, #tpu.memory_space<vmem>>, vector<16xf32>,
        %add3A_316 = arith.addf %add3A_304, %get3A_315 : vector<16xf32>
        %add3A_317 = arith.constant 1050 : i32
        %add3A_318 = arith.addi %add3A_317, %scan3A_32 : i32
        %get3A_319 = arith.index_cast %add3A_318 : i32 to index
        %get3A_320 = arith.constant 16 : index
        %get3A_321 = tpu.vector_load %arg7[%get3A_319, %get3A_320] {strides = array<i32>} : memref<1312x32xf32, #tpu.memory_space<vmem>>, vector<16xf32>,
        %add3A_322 = arith.addf %add3A_310, %get3A_321 : vector<16xf32>
        %add3A_323 = arith.constant 1100 : i32
        %add3A_324 = arith.addi %add3A_323, %scan3A_32 : i32
        %get3A_325 = arith.index_cast %add3A_324 : i32 to index
        %get3A_326 = arith.constant 16 : index
        %get3A_327 = tpu.vector_load %arg7[%get3A_325, %get3A_326] {strides = array<i32>} : memref<1312x32xf32, #tpu.memory_space<vmem>>, vector<16xf32>,
        %add3A_328 = arith.addf %add3A_316, %get3A_327 : vector<16xf32>
        %add3A_329 = arith.constant 1150 : i32
        %add3A_330 = arith.addi %add3A_329, %scan3A_32 : i32
        %get3A_331 = arith.index_cast %add3A_330 : i32 to index
        %get3A_332 = arith.constant 16 : index
        %get3A_333 = tpu.vector_load %arg7[%get3A_331, %get3A_332] {strides = array<i32>} : memref<1312x32xf32, #tpu.memory_space<vmem>>, vector<16xf32>,
        %add3A_334 = arith.addf %add3A_322, %get3A_333 : vector<16xf32>
        %add3A_335 = arith.constant 1200 : i32
        %add3A_336 = arith.addi %add3A_335, %scan3A_32 : i32
        %get3A_337 = arith.index_cast %add3A_336 : i32 to index
        %get3A_338 = arith.constant 16 : index
        %get3A_339 = tpu.vector_load %arg7[%get3A_337, %get3A_338] {strides = array<i32>} : memref<1312x32xf32, #tpu.memory_space<vmem>>, vector<16xf32>,
        %add3A_340 = arith.addf %add3A_328, %get3A_339 : vector<16xf32>
        %add3A_341 = arith.constant 1250 : i32
        %add3A_342 = arith.addi %add3A_341, %scan3A_32 : i32
        %get3A_343 = arith.index_cast %add3A_342 : i32 to index
        %get3A_344 = arith.constant 16 : index
        %get3A_345 = tpu.vector_load %arg7[%get3A_343, %get3A_344] {strides = array<i32>} : memref<1312x32xf32, #tpu.memory_space<vmem>>, vector<16xf32>,
        %add3A_346 = arith.addf %add3A_334, %get3A_345 : vector<16xf32>
        %add3A_347 = arith.addf %add3A_340, %add3A_346 : vector<16xf32>
        %mul3A_348 = arith.constant 0.0384615399 : f32
        %mul3A_349 = vector.broadcast %mul3A_348 : f32 to vector<16xf32>
        %mul3A_350 = arith.mulf %add3A_347, %mul3A_349 : vector<16xf32>
        %add3A_351 = arith.constant 800 : i32
        %add3A_352 = arith.addi %add3A_351, %scan3A_32 : i32
        %add3A_353 = vector.broadcast %add3A_352 : i32 to vector<16xi32>
        %add3A_354 = arith.addi %mul3A_35, %add3A_353 : vector<16xi32>
        tpu.vector_store_idx %arg8[%add3A_354], %mul3A_350 : memref<1600xf32, #tpu.memory_space<vmem>>[vector<16xi32>], vector<16xf32>,
      }
      %scan3A_29 = arith.constant 50 : i32
      %mul3A_30 = arith.constant 1600 : i32
      %mul3A_31 = arith.muli %add3A_11, %mul3A_30 : i32
      "tpu.region"() ({
        %run_scoped3A = tpu.sem_alloc : memref<!tpu.dma_semaphore, #tpu.memory_space<semaphore_mem>>
        %dma_start3A_32 = tpu.memref_slice %arg5[%mul3A_31] : memref<6553600xf32, #tpu.memory_space<hbm>> -> memref<1600xf32, #tpu.memory_space<hbm>>
        %dma_start3A_33 = tpu.memref_slice %arg5[%mul3A_31] : memref<6553600xf32, #tpu.memory_space<hbm>> -> memref<1600xf32, #tpu.memory_space<hbm>>
        tpu.enqueue_dma source(%arg8 : memref<1600xf32, #tpu.memory_space<vmem>>) target(%dma_start3A_33 : memref<1600xf32, #tpu.memory_space<hbm>>) target_semaphore(%run_scoped3A : memref<!tpu.dma_semaphore, #tpu.memory_space<semaphore_mem>>)
        %dma_wait3A_34 = tpu.memref_slice %arg5[%mul3A_31] : memref<6553600xf32, #tpu.memory_space<hbm>> -> memref<1600xf32, #tpu.memory_space<hbm>>
        %dma_wait3A_35 = tpu.memref_slice %arg5[%mul3A_31] : memref<6553600xf32, #tpu.memory_space<hbm>> -> memref<1600xf32, #tpu.memory_space<hbm>>
        tpu.wait_dma2 semaphore(%run_scoped3A : memref<!tpu.dma_semaphore, #tpu.memory_space<semaphore_mem>>) src(%arg8 : memref<1600xf32, #tpu.memory_space<vmem>>) dst(%dma_wait3A_35 : memref<1600xf32, #tpu.memory_space<hbm>>)
        tpu.yield
      }) : () -> ()
    }
    %scan3A_7 = arith.constant 128 : i32
    return
  }
}

</mosaic_0001>

<sc_bundles>
// kernel: kernel.3.cloned.1.call-start
scs
__scs_entry_jumppad:
0x0: {  	(pc) =	sbr.rel $0x88, $3  }
0x1: {  	(tag) =	ssettag $0x0;
	lr =	simm.s32 $0x1  }
0x2: {  	[smem:$0x3F9F] =	sst lr;
	_ =	strace $0xD0000000  }
0x3: {  	_ = 	snop  }
0x4: {  	_ = 	snop  }
0x5: {  	_ = 	snop  }
0x6: {  	_ = 	snop  }
0x7: {  	_ = 	snop  }
__scs_overlays_trampoline_lowered:
0x8: {  	[smem:$0x3FAE] =	sst s0  }
0x9: {  	[smem:$0x3FAF] =	sst s1  }
0xa: {  	[smem:$0x3FB0] =	sst s2  }
0xb: {  	[smem:$0x3FB1] =	sst s3  }
0xc: {  	[smem:$0x3FB2] =	sst s4  }
0xd: {  	[smem:$0x3FB3] =	sst s5  }
0xe: {  	[smem:$0x3FB4] =	sst s6  }
0xf: {  	[smem:$0x3FB5] =	sst s7  }
0x10: {  	[smem:$0x3FB6] =	sst s8  }
0x11: {  	[smem:$0x3FB7] =	sst s9;
	s0 =	simm.s32 @!p0 $0x0  }
0x12: {  	s1 =	sld [smem:$0x3F9D];
	s0 =	simm.s32 @p0 $0x1  }
0x13: {  	[smem:$0x3FB8] =	sst s0;
	s0 =	simm.s32 @!p1 $0x0  }
0x14: {  	s2 =	sld [smem:$0x3F9C];
	s0 =	simm.s32 @p1 $0x1  }
0x15: {  	[smem:$0x3FB9] =	sst s0;
	s0 =	simm.s32 @!p2 $0x0  }
0x16: {  	s3 =	sld [smem:$0x3FDB];
	s0 =	simm.s32 @p2 $0x1  }
0x17: {  	s4 =	simm.s32 $0x1BF5;
	[smem:$0x3FBB] =	sst s0  }
0x18: {  	s0 =	sld [smem:$0x3F9E];
	_ =	swait.ge [sflag:s4], $0x0  }
0x19: {  	s7 =	sld [smem:$0x3F9F]  }
0x1a: {  	s8 =	sadd.s32 $0xFFFFE003, lr  }
0x1b: {  	s9 =	sadd.s32 $0xFFFFFEF7, lr;
	s5 =	simm.s32 $0xFFFFFFFF;
	p2 =	slt.u32 s8, $0xFFFFF086  }
0x1c: {  	p1 =	slt.u32 s9, $0xF7A;
	s5 =	simm.s32 @!p2 $0x0  }
0x1d: {  	s5 =	simm.s32 @p1 $0x1;
	p0 =	seq.s32 s7, s2  }
0x1e: {  	s7 =	smul.u32 @!p0 $0xF7A, s2;
	p2 =	seq.s32 @!p0 s5, $0x0  }
0x1f: {  	s9 =	smul.u32 $0xF7A, s1;
	s8 =	simm.s32 @!p0 $0x1BF5;
	p2 =	por !p2, p0  }
0x20: {  	[sflag:s8] =	ssyncset.s32 @!p0 $0xFFFFF086;
	s6 =	sadd.s32 @!p0 s3, s7;
	s7 =	simm.s32 @!p0 $0x108  }
0x21: {  	s3 =	sadd.s32 s3, s9;
	s6 =	sadd.s32 @!p0 $0x88, s6;
	s7 =	simm.s32 @p2 $0x1082  }
0x22: {  	[simem:s7], [sflag:s8] =	dma.local @!p0 [hbm:s6], $0xF7A  }
0x23: {  	s9 =	sor.u32 $0xD0000000, s2;
	s6 =	simm.s32 $0x108;
	_ =	swait.ge @!p0 [sflag:s8], $0x0  }
0x24: {  	s3 =	sadd.s32 $0x88, s3;
	s6 =	simm.s32 @!p1 $0x1082;
	[sflag:s4] =	ssyncset.s32 $0xFFFFF086  }
0x25: {  	[simem:s6], [sflag:s4] =	dma.local [hbm:s3], $0xF7A  }
0x26: {  	[smem:$0x3F9F] =	sst s1;
	(tag) =	ssettag s2;
	_ =	strace s9  }
0x27: {  	s1 =	sld [smem:$0x3FAF]  }
0x28: {  	s2 =	sld [smem:$0x3FB0]  }
0x29: {  	s4 =	sld [smem:$0x3FB2]  }
0x2a: {  	p0 =	seq.s32 s5, $0x0;
	s5 =	sld [smem:$0x3FB3]  }
0x2b: {  	s6 =	sld [smem:$0x3FB4]  }
0x2c: {  	s7 =	sld [smem:$0x3FB5]  }
0x2d: {  	s3 =	simm.s32 $0x108;
	s8 =	sld [smem:$0x3FB6]  }
0x2e: {  	s3 =	simm.s32 @!p0 $0x1082;
	s9 =	sld [smem:$0x3FB7]  }
0x2f: {  	lr =	sadd.s32 s0, s3;
	s0 =	sld [smem:$0x3FAE]  }
0x30: {  	s3 =	sld [smem:$0x3FB1]  }
0x31: {  	[smem:$0x3FBA] =	sst s10  }
0x32: {  	s10 =	sld [smem:$0x3FB8];
	_ =	sdelay $0x3  }
0x33: {  	p0 =	seq.s32 s10, $0x1;
	s10 =	sld [smem:$0x3FBA];
	_ =	sdelay $0x3  }
0x34: {  	[smem:$0x3FBA] =	sst s10  }
0x35: {  	s10 =	sld [smem:$0x3FB9];
	_ =	sdelay $0x3  }
0x36: {  	p1 =	seq.s32 s10, $0x1;
	s10 =	sld [smem:$0x3FBA];
	_ =	sdelay $0x3  }
0x37: {  	[smem:$0x3FBA] =	sst s10  }
0x38: {  	s10 =	sld [smem:$0x3FBB]  }
0x39: {  	_ = 	snop;
	(pc) =	sbr.ind lr, $3  }
0x3a: {  	_ = 	snop  }
0x3b: {  	_ = 	snop  }
0x3c: {  	p2 =	seq.s32 s10, $0x1;
	s10 =	sld [smem:$0x3FBA]  }
0x3d: {  	_ =	shalt  }
0x3e: {  	_ =	shalt  }
0x3f: {  	_ =	shalt  }
0x40: {  	_ =	shalt  }
0x41: {  	_ =	shalt  }
0x42: {  	_ =	shalt  }
0x43: {  	_ =	shalt  }
0x44: {  	_ =	shalt  }
0x45: {  	_ =	shalt  }
0x46: {  	_ =	shalt  }
0x47: {  	_ =	shalt  }
0x48: {  	_ =	shalt  }
0x49: {  	_ =	shalt  }
0x4a: {  	_ =	shalt  }
0x4b: {  	_ =	shalt  }
0x4c: {  	_ =	shalt  }
0x4d: {  	_ =	shalt  }
0x4e: {  	_ =	shalt  }
0x4f: {  	_ =	shalt  }
0x50: {  	_ =	shalt  }
0x51: {  	_ =	shalt  }
0x52: {  	_ =	shalt  }
0x53: {  	_ =	shalt  }
0x54: {  	_ =	shalt  }
0x55: {  	_ =	shalt  }
0x56: {  	_ =	shalt  }
0x57: {  	_ =	shalt  }
0x58: {  	_ =	shalt  }
0x59: {  	_ =	shalt  }
0x5a: {  	_ =	shalt  }
0x5b: {  	_ =	shalt  }
0x5c: {  	_ =	shalt  }
0x5d: {  	_ =	shalt  }
0x5e: {  	_ =	shalt  }
0x5f: {  	_ =	shalt  }
0x60: {  	_ =	shalt  }
0x61: {  	_ =	shalt  }
0x62: {  	_ =	shalt  }
0x63: {  	_ =	shalt  }
0x64: {  	_ =	shalt  }
0x65: {  	_ =	shalt  }
0x66: {  	_ =	shalt  }
0x67: {  	_ =	shalt  }
0x68: {  	_ =	shalt  }
0x69: {  	_ =	shalt  }
0x6a: {  	_ =	shalt  }
0x6b: {  	_ =	shalt  }
0x6c: {  	_ =	shalt  }
0x6d: {  	_ =	shalt  }
0x6e: {  	_ =	shalt  }
0x6f: {  	_ =	shalt  }
0x70: {  	_ =	shalt  }
0x71: {  	_ =	shalt  }
0x72: {  	_ =	shalt  }
0x73: {  	_ =	shalt  }
0x74: {  	_ =	shalt  }
0x75: {  	_ =	shalt  }
0x76: {  	_ =	shalt  }
0x77: {  	_ =	shalt  }
0x78: {  	_ =	shalt  }
0x79: {  	_ =	shalt  }
0x7a: {  	_ =	shalt  }
0x7b: {  	_ =	shalt  }
0x7c: {  	_ =	shalt  }
0x7d: {  	_ =	shalt  }
0x7e: {  	_ =	shalt  }
0x7f: {  	_ =	shalt  }
0x80: {  	_ =	shalt  }
0x81: {  	_ =	shalt  }
0x82: {  	_ =	shalt  }
0x83: {  	_ =	shalt  }
0x84: {  	_ =	shalt  }
0x85: {  	_ =	shalt  }
0x86: {  	_ =	shalt  }
0x87: {  	_ =	shalt  }
.Lfunc_end0:
.L_simem_size_0:
called_computation_lowered:
.L_overlay_start_0:
0x88: {  	s2 =	sld [smem:$0x3FD9]  }
0x89: {  	s3 =	sld [smem:$0x3FFE];
	_ =	sdelay $0x1  }
0x8a: {  	s1 =	srdreg.scid  }
0x8b: {  	s0 =	sand.u32 $0x1, s1  }
0x8c: {  	s17 =	sshll.u32 s0, $0xA;
	s2 =	sadd.s32 s3, s2  }
0x8d: {  	s2 =	sadd.s32 s2, s17  }
0x8e: {  	[smem:$0x3FC6] =	sst s2  }
0x8f: {  	_ = 	snop  }
0x90: {  	s2 =	sld [smem:$0x3FD0];
	(tm) =	ssettm $0x1  }
0x91: {  	s18 =	sld [smem:$0x3FFB];
	_ =	sdelay $0x3  }
0x92: {  	_ =	strace s18  }
0x93: {  	s3 =	sld [smem:$0x3FFC];
	_ =	sdelay $0x3  }
0x94: {  	_ =	strace s3  }
0x95: {  	s3 =	sld [smem:$0x3FFD];
	_ =	sdelay $0x3  }
0x96: {  	_ =	strace s3  }
0x97: {  	_ =	strace $0x8FFFFFFF  }
0x98: {  	s19 =	sld [smem:$0x3FDB];
	_ =	sdelay $0x1  }
0x99: {  	s4 =	simm.s32 $_scs_section_size  }
0x9a: {  	s5 =	simm.s32 $_size__tile_overlayer_lowered;
	s6 =	simm.s32 $_tile_overlayer_lowered  }
0x9b: {  	s22 =	simm.s32 $0x1BFF;
	s21 =	sshll.u32 s6, $0x1;
	s3 =	sadd.s32 s4, s19  }
0x9c: {  	s7 =	simm.s32 $0x0;
	s20 =	sshll.u32 s5, $0x1;
	s5 =	sadd.s32 s21, s3  }
0x9d: {  	[timem:s7], [sflag:s22] =	dma.local [hbm:s5], s20  }
0x9e: {  	_ =	swait.ge [sflag:s22], s20  }
0x9f: {  	s4 =	ssub.s32 $0x0, s20;
	[sflag:s22] =	ssyncset.done $0x0  }
0xa0: {  	[sflag:s22] =	ssyncadd.s32 s4;
	_ =	sdelay $0x1  }
0xa1: {  	s23 =	simm.s32 $0x1B8B  }
0xa2: {  	_ =	swait.ge [sflag:s23], $0x1  }
0xa3: {  	[sflag:s23] =	ssyncset.done $0x0  }
0xa4: {  	s25 =	simm.s32 $0x1B8E;
	s24 =	sld [smem:$0x3FFE];
	[sflag:s23] =	ssyncadd.s32 $0xFFFFFFFF  }
0xa5: {  	s26 =	simm.s32 $execute0_lowered;
	[smem:$0x3FD2] =	sst s25  }
0xa6: {  	s5 =	sshll.u32 s26, $0x1;
	_ =	strace $0x80000046;
	[dreg:$0x1] =	wrdreg $0xFFFFFFFF  }
0xa7: {  	s28 =	simm.s32 $_size_execute0_lowered;
	s3 =	sadd.s32 s3, s5;
	[dreg:$0x0] =	wrdreg $0x0  }
0xa8: {  	s5 =	sshll.u32 s28, $0x1;
	[dreg:$0x2] =	wrdreg s3  }
0xa9: {  	[dreg:$0x3] =	wrdreg s5  }
0xaa: {  	[dreg:$0x4] =	wrdreg $0xC0  }
0xab: {  	_ =	task [dreg:s7], $0x5FFFF  }
0xac: {  	[dreg:$0x1] =	wrdreg $0xFFFFFFFF  }
0xad: {  	[dreg:$0x0] =	wrdreg $0x60  }
0xae: {  	[dreg:$0x2] =	wrdreg s24  }
0xaf: {  	[dreg:$0x3] =	wrdreg s2  }
0xb0: {  	[dreg:$0x4] =	wrdreg $0x9  }
0xb1: {  	_ =	task.clear_ibuf [dreg:s7], $0x5FFFF;
	_ =	strace $0x90000046  }
0xb2: {  	s29 =	simm.s32 $0x9;
	_ =	strace $0x80000048  }
0xb3: {  	_ =	swait.ge [sflag:s29], $0x1  }
0xb4: {  	[sflag:s29] =	ssyncadd.s32 $0xFFFFFFFF  }
0xb5: {  	_ =	strace $0x90000048  }
0xb6: {  	_ =	sfence  }
0xb7: {  	s30 =	sld [smem:$0x0];
	_ =	sdelay $0x2  }
0xb8: {  	s31 =	sshll.u32 s1, $0xD;
	s1 =	sshrl.u32 s1, $0x2  }
0xb9: {  	s3 =	sand.u32 $0x4000, s31;
	s1 =	sadd.s32 s1, s30  }
0xba: {  	s0 =	sor.u32 s3, s0;
	s1 =	sshll.u32 s1, $0x11  }
0xbb: {  	s0 =	sor.u32 s1, s0  }
0xbc: {  	s0 =	sadd.s32 $0x8F2B, s0  }
0xbd: {  	[sflag:s0] =	ssyncadd.remote.s32 $0x1  }
0xbe: {  	_ =	sfence.sel $0xFFFF  }
0xbf: {  	[dreg:$0x0] =	wrdreg $0xFFFFFFFF;
	(pc) =	sbr.abs _section_cstart, $3  }
0xc0: {  	[dreg:$0x1] =	wrdreg $0xFFFFFFFF  }
0xc1: {  	_ =	task.clear_ibuf [dreg:s7], $0x2FFFF;
	_ =	strace $0x9FFFFFFF  }
0xc2: {  	(tm) =	ssettm $0x7FFFFFFF  }
0xc3: {  	_ =	shalt  }
tec
execute0_lowered:
.L_overlay_start_1:
0x0: {  	(tag) =	ssettag $0x1  }
0x1: {  	s6 =	rddreg [dreg:$0x0]  }
0x2: {  	s1 =	rddreg [dreg:$0x1]  }
0x3: {  	s0 =	rddreg [dreg:$0x2]  }
0x4: {  	s2 =	simm.s32 $0x0;
	s3 =	srdreg.scid;
	s11 =	simm.s32 $0x1  }
0x5: {  	s12 =	simm.s32 $0xA920;
	s13 =	simm.s32 $0x0;
	[smem:$0x7FF] =	sst s2  }
0x6: {  	s4 =	sadd.s32 $0x800, s6;
	s7 =	sand.u32 $0x1, s3;
	s5 =	sadd.s32 $0x27ACC00, s6  }
0x7: {  	s3 =	stileid.u32;
	s6 =	sadd.s32 $0xA3800, s6;
	s8 =	ssub.s32 $0x2, s7  }
0x8: {  	s10 =	sshll.u32 s3, $0x8;
	s7 =	sshll.u32 s7, $0x7;
	s9 =	sshrl.u32 s8, $0x1  }
0x9: {  	v1 =	vlaneseq.u32;
	_ =	strace $0x80000047;
	s7 =	sor.u32 s7, s10;
	s8 =	ssub.s32 s8, s9  }
0xa: {  	v0 =	vimm.s32 $0x0;
	v1 =	vmul.u32 $0x32, v1;
	s10 =	simm.s32 $0x2;
	s9 =	simm.s32 $0xAF60;
	s8 =	smax.u32 s8, $0x1  }
.LBB2_1:
0xb: {  	[tilespmem:s9], [sflag:$0x2] =	stream.linear.gather [hbm4b:s6+s2], $0x520, $0x38;
	[tilespmem:$0xB480] =	vst v63  }
0xc: {  	_ =	swait.ge [sflag:s10], $0x520  }
0xd: {  	[sflag:s10] =	ssyncset.done $0x0  }
0xe: {  	[sflag:s10] =	ssyncadd.s32 $0xFFFFFAE0  }
0xf: {  	s14 =	simm.s32 $0x0;
	[tilespmem:$0x510] =	vst v0  }
.LBB2_2:
0x10: {  	s15 =	sadd.s32 s7, s14  }
0x11: {  	s16 =	smul.u32 $0xA3, s15;
	_ =	sdelay $0x1  }
0x12: {  	s17 =	simm.s32 $0x0;
	s16 =	sadd.s32 s4, s16  }
0x13: {  	[tilespmem:s17], [sflag:$0x2] =	stream.linear.gather [hbm4b:s16+s17], $0x518, $0x38;
	[tilespmem:$0xB480] =	vst v63  }
0x14: {  	_ =	swait.ge [sflag:s10], $0x518  }
0x15: {  	[sflag:s10] =	ssyncset.done $0x0  }
0x16: {  	s16 =	simm.s32 $0x0;
	[sflag:s10] =	ssyncadd.s32 $0xFFFFFAE8  }
0x17: {  	s17 =	simm.s32 $0x40;
	v2 =	vld [tilespmem:s16+$0xAF60]  }
.LBB2_3:
0x18: {  	p0 =	sne.s32 s17, $0x1440;
	v3 =	vld [tilespmem:s16+$0x0];
	_ =	sdelay $0x1  }
.Ltmp0:
0x19: {  	(pc) =	sbr.rel @p0 .LBB2_3-.Ltmp0, $3  }
0x1a: {  	_ =	sdelay $0x1  }
0x1b: {  	s18 =	sshra.s32 s17, $0x2;
	v3 =	vadd.s32 v3, v2  }
0x1c: {  	s17 =	sadd.s32 $0x40, s17;
	v2 =	vld [tilespmem:s18+$0xAF60];
	[tilespmem:s16+$0x0] =	vst v3;
	s16 =	smov.u32 s18  }
0x1d: {  	v3 =	vld [tilespmem:s16+$0x0];
	_ =	sdelay $0x4  }
0x1e: {  	v2 =	vadd.s32 v3, v2  }
0x1f: {  	s17 =	simm.s32 $0x0;
	[tilespmem:s16+$0x0] =	vst v2;
	s16 =	simm.s32 $0x520  }
0x20: {  	[tilespmem:s16], [sflag:$0x1] =	stream.indirect.gather [hbm4b:s5+s16], $0x20, s17, s16, $0xb8;
	[tilespmem:$0xB480] =	vst v63  }
0x21: {  	_ =	swait.ge [sflag:s11], $0xA400  }
0x22: {  	[sflag:s11] =	ssyncset.done $0x0  }
0x23: {  	[sflag:s11] =	ssyncadd.s32 $0xFFFF5C00  }
0x24: {  	v2 =	vld [tilespmem:s16+$0x640]  }
0x25: {  	v3 =	vld [tilespmem:s16+$0x12C0]  }
0x26: {  	v4 =	vld [tilespmem:s16+$0x0]  }
0x27: {  	v5 =	vld [tilespmem:s16+$0xC80]  }
0x28: {  	v6 =	vld [tilespmem:s16+$0x1F40]  }
0x29: {  	v7 =	vld [tilespmem:s16+$0x1900]  }
0x2a: {  	v8 =	vld [tilespmem:s16+$0x2BC0]  }
0x2b: {  	v9 =	vld [tilespmem:s16+$0x2580]  }
0x2c: {  	v2 =	vadd.f32 v3, v2;
	v3 =	vadd.f32 v5, v4;
	v4 =	vld [tilespmem:s16+$0x3840]  }
0x2d: {  	v5 =	vld [tilespmem:s16+$0x3200]  }
0x2e: {  	v2 =	vadd.f32 v6, v2;
	v3 =	vadd.f32 v7, v3;
	v6 =	vld [tilespmem:s16+$0x44C0]  }
0x2f: {  	v7 =	vld [tilespmem:s16+$0x3E80]  }
0x30: {  	v50 =	vld [tilespmem:s16+$0x5140];
	v2 =	vadd.f32 v8, v2;
	v3 =	vadd.f32 v9, v3  }
0x31: {  	v51 =	vld [tilespmem:s16+$0x4B00]  }
0x32: {  	v2 =	vadd.f32 v4, v2;
	v3 =	vadd.f32 v5, v3;
	v4 =	vld [tilespmem:s16+$0x5DC0]  }
0x33: {  	v5 =	vld [tilespmem:s16+$0x5780]  }
0x34: {  	v2 =	vadd.f32 v6, v2;
	v3 =	vadd.f32 v7, v3;
	v6 =	vld [tilespmem:s16+$0x6A40]  }
0x35: {  	v7 =	vld [tilespmem:s16+$0x6400]  }
0x36: {  	v52 =	vld [tilespmem:s16+$0x76C0];
	v2 =	vadd.f32 v50, v2;
	v3 =	vadd.f32 v51, v3  }
0x37: {  	v53 =	vld [tilespmem:s16+$0x7080]  }
0x38: {  	v2 =	vadd.f32 v4, v2;
	v3 =	vadd.f32 v5, v3;
	v4 =	vld [tilespmem:s16+$0x8340]  }
0x39: {  	v5 =	vld [tilespmem:s16+$0x7D00]  }
0x3a: {  	v2 =	vadd.f32 v6, v2;
	v3 =	vadd.f32 v7, v3;
	v6 =	vld [tilespmem:s16+$0x8FC0]  }
0x3b: {  	v7 =	vld [tilespmem:s16+$0x8980]  }
0x3c: {  	v54 =	vld [tilespmem:s16+$0x9C40];
	v2 =	vadd.f32 v52, v2;
	v3 =	vadd.f32 v53, v3  }
0x3d: {  	v55 =	vld [tilespmem:s16+$0x9600]  }
0x3e: {  	v2 =	vadd.f32 v4, v2;
	v3 =	vadd.f32 v5, v3;
	_ =	sdelay $0x1  }
0x3f: {  	v3 =	vadd.f32 v7, v3;
	v2 =	vadd.f32 v6, v2;
	_ =	sdelay $0x1  }
0x40: {  	v3 =	vadd.f32 v55, v3;
	v2 =	vadd.f32 v54, v2  }
0x41: {  	v4 =	vadd.s32 s17, v1  }
0x42: {  	v2 =	vadd.f32 v2, v3;
	_ =	sdelay $0x1  }
0x43: {  	v2 =	vmul.f32 $3.846153990e-02, v2;
	_ =	sdelay $0x1  }
0x44: {  	[tilespmem:v4+s12+$0x0] =	vst.idx.msk $0xffff, v2  }
0x45: {  	v2 =	vld [tilespmem:s16+$0x10]  }
0x46: {  	v3 =	vld [tilespmem:s16+$0x650]  }
0x47: {  	v4 =	vld [tilespmem:s16+$0xC90]  }
0x48: {  	v5 =	vld [tilespmem:s16+$0x12D0]  }
0x49: {  	v6 =	vld [tilespmem:s16+$0x1910]  }
0x4a: {  	v7 =	vld [tilespmem:s16+$0x1F50]  }
0x4b: {  	v56 =	vld [tilespmem:s16+$0x2590]  }
0x4c: {  	v57 =	vld [tilespmem:s16+$0x2BD0]  }
0x4d: {  	v2 =	vadd.f32 v4, v2;
	v3 =	vadd.f32 v5, v3;
	v4 =	vld [tilespmem:s16+$0x3210]  }
0x4e: {  	v5 =	vld [tilespmem:s16+$0x3850]  }
0x4f: {  	v2 =	vadd.f32 v6, v2;
	v3 =	vadd.f32 v7, v3;
	v6 =	vld [tilespmem:s16+$0x3E90]  }
0x50: {  	v7 =	vld [tilespmem:s16+$0x44D0]  }
0x51: {  	v58 =	vld [tilespmem:s16+$0x4B10];
	v2 =	vadd.f32 v56, v2;
	v3 =	vadd.f32 v57, v3  }
0x52: {  	v59 =	vld [tilespmem:s16+$0x5150]  }
0x53: {  	v2 =	vadd.f32 v4, v2;
	v3 =	vadd.f32 v5, v3;
	v4 =	vld [tilespmem:s16+$0x5790]  }
0x54: {  	v5 =	vld [tilespmem:s16+$0x5DD0]  }
0x55: {  	v2 =	vadd.f32 v6, v2;
	v3 =	vadd.f32 v7, v3;
	v6 =	vld [tilespmem:s16+$0x6410]  }
0x56: {  	v7 =	vld [tilespmem:s16+$0x6A50]  }
0x57: {  	v60 =	vld [tilespmem:s16+$0x7090];
	v2 =	vadd.f32 v58, v2;
	v3 =	vadd.f32 v59, v3  }
0x58: {  	v61 =	vld [tilespmem:s16+$0x76D0]  }
0x59: {  	v2 =	vadd.f32 v4, v2;
	v3 =	vadd.f32 v5, v3;
	v4 =	vld [tilespmem:s16+$0x7D10]  }
0x5a: {  	v5 =	vld [tilespmem:s16+$0x8350]  }
0x5b: {  	v2 =	vadd.f32 v6, v2;
	v3 =	vadd.f32 v7, v3;
	v6 =	vld [tilespmem:s16+$0x8990]  }
0x5c: {  	v7 =	vld [tilespmem:s16+$0x8FD0]  }
0x5d: {  	v62 =	vld [tilespmem:s16+$0x9C50];
	v2 =	vadd.f32 v60, v2;
	v3 =	vadd.f32 v61, v3  }
0x5e: {  	v63 =	vld [tilespmem:s16+$0x9610]  }
0x5f: {  	v2 =	vadd.f32 v4, v2;
	v3 =	vadd.f32 v5, v3;
	_ =	sdelay $0x1  }
0x60: {  	v2 =	vadd.f32 v6, v2;
	v4 =	vadd.f32 v7, v3  }
0x61: {  	s18 =	simm.s32 $0x320  }
0x62: {  	s17 =	simm.s32 $0x1;
	v3 =	vadd.f32 v63, v2;
	v4 =	vadd.f32 v62, v4;
	v2 =	vadd.s32 s18, v1  }
.LBB2_5:
0x63: {  	p0 =	sne.s32 s17, $0x31  }
0x64: {  	v3 =	vadd.f32 v4, v3;
	s16 =	sadd.s32 $0x20, s16;
	s18 =	smov.u32 s17;
	s17 =	sadd.s32 $0x1, s17  }
0x65: {  	_ = 	snop  }
0x66: {  	v3 =	vmul.f32 $3.846153990e-02, v3;
	_ =	sdelay $0x1  }
0x67: {  	[tilespmem:v2+s12+$0x0] =	vst.idx.msk $0xffff, v3  }
0x68: {  	v2 =	vld [tilespmem:s16+$0x640]  }
0x69: {  	v3 =	vld [tilespmem:s16+$0x12C0]  }
0x6a: {  	v4 =	vld [tilespmem:s16+$0x0]  }
0x6b: {  	v5 =	vld [tilespmem:s16+$0xC80]  }
0x6c: {  	v6 =	vld [tilespmem:s16+$0x1F40]  }
0x6d: {  	v7 =	vld [tilespmem:s16+$0x1900]  }
0x6e: {  	v8 =	vld [tilespmem:s16+$0x2BC0]  }
0x6f: {  	v2 =	vadd.f32 v3, v2;
	v3 =	vld [tilespmem:s16+$0x2580]  }
0x70: {  	v4 =	vadd.f32 v5, v4;
	v5 =	vld [tilespmem:s16+$0x3840]  }
0x71: {  	v2 =	vadd.f32 v6, v2;
	v6 =	vld [tilespmem:s16+$0x3200]  }
0x72: {  	v4 =	vadd.f32 v7, v4;
	v7 =	vld [tilespmem:s16+$0x44C0]  }
0x73: {  	v2 =	vadd.f32 v8, v2;
	v8 =	vld [tilespmem:s16+$0x3E80]  }
0x74: {  	v3 =	vadd.f32 v3, v4;
	v4 =	vld [tilespmem:s16+$0x5140]  }
0x75: {  	v2 =	vadd.f32 v5, v2;
	v5 =	vld [tilespmem:s16+$0x4B00]  }
0x76: {  	v3 =	vadd.f32 v6, v3;
	v6 =	vld [tilespmem:s16+$0x5DC0]  }
0x77: {  	v2 =	vadd.f32 v7, v2;
	v7 =	vld [tilespmem:s16+$0x5780]  }
0x78: {  	v3 =	vadd.f32 v8, v3;
	v8 =	vld [tilespmem:s16+$0x6A40]  }
0x79: {  	v2 =	vadd.f32 v4, v2;
	v4 =	vld [tilespmem:s16+$0x6400]  }
0x7a: {  	v3 =	vadd.f32 v5, v3;
	v5 =	vld [tilespmem:s16+$0x76C0]  }
0x7b: {  	v2 =	vadd.f32 v6, v2;
	v6 =	vld [tilespmem:s16+$0x7080]  }
0x7c: {  	v3 =	vadd.f32 v7, v3;
	v7 =	vld [tilespmem:s16+$0x8340]  }
0x7d: {  	v2 =	vadd.f32 v8, v2;
	v8 =	vld [tilespmem:s16+$0x7D00]  }
0x7e: {  	v3 =	vadd.f32 v4, v3;
	v4 =	vld [tilespmem:s16+$0x8FC0]  }
0x7f: {  	v2 =	vadd.f32 v5, v2;
	v5 =	vld [tilespmem:s16+$0x8980]  }
0x80: {  	v3 =	vadd.f32 v6, v3;
	v6 =	vld [tilespmem:s16+$0x9C40]  }
0x81: {  	v2 =	vadd.f32 v7, v2;
	v7 =	vld [tilespmem:s16+$0x9600]  }
0x82: {  	v3 =	vadd.f32 v8, v3;
	_ =	sdelay $0x1  }
0x83: {  	v2 =	vadd.f32 v4, v2;
	v3 =	vadd.f32 v5, v3;
	_ =	sdelay $0x1  }
0x84: {  	v2 =	vadd.f32 v6, v2;
	v3 =	vadd.f32 v7, v3  }
0x85: {  	v4 =	vadd.s32 s18, v1  }
0x86: {  	v2 =	vadd.f32 v2, v3;
	_ =	sdelay $0x1  }
0x87: {  	v2 =	vmul.f32 $3.846153990e-02, v2;
	_ =	sdelay $0x1  }
0x88: {  	[tilespmem:v4+s12+$0x0] =	vst.idx.msk $0xffff, v2  }
0x89: {  	v2 =	vld [tilespmem:s16+$0x10]  }
0x8a: {  	v3 =	vld [tilespmem:s16+$0x650]  }
0x8b: {  	v4 =	vld [tilespmem:s16+$0xC90]  }
0x8c: {  	v5 =	vld [tilespmem:s16+$0x12D0]  }
0x8d: {  	v6 =	vld [tilespmem:s16+$0x1910]  }
0x8e: {  	v7 =	vld [tilespmem:s16+$0x1F50]  }
0x8f: {  	v8 =	vld [tilespmem:s16+$0x2590]  }
0x90: {  	v2 =	vadd.f32 v4, v2;
	v4 =	vld [tilespmem:s16+$0x2BD0]  }
0x91: {  	v3 =	vadd.f32 v5, v3;
	v5 =	vld [tilespmem:s16+$0x3210]  }
0x92: {  	v2 =	vadd.f32 v6, v2;
	v6 =	vld [tilespmem:s16+$0x3850]  }
0x93: {  	v3 =	vadd.f32 v7, v3;
	v7 =	vld [tilespmem:s16+$0x3E90]  }
0x94: {  	v2 =	vadd.f32 v8, v2;
	v8 =	vld [tilespmem:s16+$0x44D0]  }
0x95: {  	v3 =	vadd.f32 v4, v3;
	v4 =	vld [tilespmem:s16+$0x4B10]  }
0x96: {  	v2 =	vadd.f32 v5, v2;
	v5 =	vld [tilespmem:s16+$0x5150]  }
0x97: {  	v3 =	vadd.f32 v6, v3;
	v6 =	vld [tilespmem:s16+$0x5790]  }
0x98: {  	v2 =	vadd.f32 v7, v2;
	v7 =	vld [tilespmem:s16+$0x5DD0]  }
0x99: {  	v3 =	vadd.f32 v8, v3;
	v8 =	vld [tilespmem:s16+$0x6410]  }
0x9a: {  	v2 =	vadd.f32 v4, v2;
	v4 =	vld [tilespmem:s16+$0x6A50]  }
0x9b: {  	v3 =	vadd.f32 v5, v3;
	v5 =	vld [tilespmem:s16+$0x7090]  }
0x9c: {  	v2 =	vadd.f32 v6, v2;
	v6 =	vld [tilespmem:s16+$0x76D0]  }
0x9d: {  	v3 =	vadd.f32 v7, v3;
	v7 =	vld [tilespmem:s16+$0x7D10]  }
0x9e: {  	v2 =	vadd.f32 v8, v2;
	v8 =	vld [tilespmem:s16+$0x8350]  }
0x9f: {  	v3 =	vadd.f32 v4, v3;
	v4 =	vld [tilespmem:s16+$0x8990]  }
0xa0: {  	v2 =	vadd.f32 v5, v2;
	v5 =	vld [tilespmem:s16+$0x8FD0]  }
0xa1: {  	v3 =	vadd.f32 v6, v3;
	v6 =	vld [tilespmem:s16+$0x9C50]  }
0xa2: {  	v2 =	vadd.f32 v7, v2;
	v7 =	vld [tilespmem:s16+$0x9610]  }
0xa3: {  	v3 =	vadd.f32 v8, v3  }
.Ltmp1:
0xa4: {  	v2 =	vadd.f32 v4, v2;
	(pc) =	sbr.rel @p0 .LBB2_5-.Ltmp1, $3  }
0xa5: {  	v4 =	vadd.f32 v5, v3;
	_ =	sdelay $0x1  }
0xa6: {  	s18 =	sadd.s32 $0x320, s18;
	v3 =	vadd.f32 v7, v2;
	v4 =	vadd.f32 v6, v4  }
0xa7: {  	v2 =	vadd.s32 s18, v1  }
0xa8: {  	v3 =	vadd.f32 v4, v3;
	_ =	sdelay $0x1  }
0xa9: {  	s15 =	smul.u32 $0xC8, s15;
	s14 =	sadd.s32 $0x1, s14;
	v3 =	vmul.f32 $3.846153990e-02, v3  }
0xaa: {  	p0 =	sne.s32 s14, $0x80  }
.Ltmp2:
0xab: {  	s15 =	sadd.s32 s1, s15;
	[tilespmem:v2+s12+$0x0] =	vst.idx.msk $0xffff, v3;
	(pc) =	sbr.rel @p0 .LBB2_2-.Ltmp2, $4  }
0xac: {  	[hbm4b:s15+s2] =	stream.linear.scatter [tilespmem:s12], [sflag:$0x2], $0x640, $0x38;
	[tilespmem:$0xB480] =	vst v63  }
0xad: {  	_ =	swait.ge [sflag:s10], $0x640  }
0xae: {  	[sflag:s10] =	ssyncset.done $0x0  }
0xaf: {  	[sflag:s10] =	ssyncadd.s32 $0xFFFFF9C0  }
0xb0: {  	s13 =	sadd.s32 $0x1, s13  }
0xb1: {  	p0 =	sne.s32 s13, s8  }
.Ltmp3:
0xb2: {  	_ = 	snop;
	(pc) =	sbr.rel @p0 .LBB2_1-.Ltmp3, $1  }
0xb3: {  	_ =	sdelay $0x3  }
0xb4: {  	_ =	sfence.sel $0x180000  }
0xb5: {  	[bflag:$0x0] =	sbarrier.arrive $0xFFFF  }
0xb6: {  	p0 =	sne.s32 s3, $0x0;
	_ =	strace $0x90000047  }
0xb7: {  	s0 =	sadd.s32 @!p0 $0x100000, s0;
	[bflag:$0x2] =	sbarrier.arrive $0xFFFF  }
0xb8: {  	[sflag:s0] =	ssyncadd.tile.s32 @!p0 $0x1;
	_ =	shalt  }
.Lfunc_end2:
_tile_overlayer_lowered:
.L_overlay_start_2:
0xb9: {  	(tag) =	ssettag $0x2  }
0xba: {  	s0 =	rddreg [dreg:$0x0];
	s2 =	stileid.u32  }
0xbb: {  	s1 =	rddreg [dreg:$0x1];
	p0 =	sne.s32 s2, $0x0  }
0xbc: {  	s3 =	rddreg [dreg:$0x2];
	[bflag:$0x3] =	sbarrier.arrive $0xFFFF;
	s2 =	simm.s32 @!p0 $0x1C02  }
0xbd: {  	[timem:s3], [sflag:s2] =	dma.local @!p0 [hbm:s0], s1  }
0xbe: {  	s0 =	simm.s32 @!p0 $0x2  }
0xbf: {  	_ =	swait.ge @!p0 [sflag:s0], s1  }
0xc0: {  	s1 =	ssub.s32 @!p0 $0x0, s1;
	[sflag:s0] =	ssyncset.done @!p0 $0x0  }
0xc1: {  	[sflag:s0] =	ssyncadd.s32 @!p0 s1  }
0xc2: {  	[bflag:$0x3] =	sbarrier.arrive $0xFFFF  }
0xc3: {  	_ =	shalt  }

</sc_bundles>
